<compile_context>
chip_gen: v7x
topology: tpu7x:2x2x1
jax: 0.10.2.dev20260603
libtpu: 0.0.44.dev20260713+nightly
codegen_flags: <defaults>
</compile_context>

<pallas_src>
import jax
import jax.numpy as jnp
from jax import lax
from jax.experimental import pallas as pl
from jax.experimental.pallas import tpu as pltpu
from jax.experimental.pallas import tpu_sc as plsc

B, L, V = 1024, 50, 1000
NC, NS = 2, 16
NW = NC * NS
BPW = B // NW
NG = (L + 15) // 16


def _sc_body(x_hbm, out_hbm, idx_v, buf, sem0, sem1):
    wid = lax.axis_index("s") * NC + lax.axis_index("c")
    base_b = wid * BPW

    pltpu.sync_copy(x_hbm.at[pl.ds(base_b * L, BPW * L)],
                    idx_v.at[pl.ds(0, BPW * L)])

    lanes = lax.iota(jnp.int32, 16)
    ones = jnp.full((16,), 1.0, jnp.float32)
    zeros = jnp.zeros((16,), jnp.float32)
    tail_mask = lanes < (L - 16 * (NG - 1))

    def _zero_row(r, carry):
        def _zero_col(c, inner):
            buf[0, r, pl.ds(c * 16, 16)] = zeros
            buf[1, r, pl.ds(c * 16, 16)] = zeros
            return inner
        lax.fori_loop(0, V // 16, _zero_col, None)
        buf[0, r, pl.ds(V - 16, 16)] = zeros
        buf[1, r, pl.ds(V - 16, 16)] = zeros
        return carry
    lax.fori_loop(0, L, _zero_row, None)

    def _scatter(p, g, val, mask_last):
        for j in range(NG):
            cols = idx_v[pl.ds(g * L + j * 16, 16)]
            rows = lanes + j * 16
            if j < NG - 1:
                plsc.store_scatter(buf.at[p], [rows, cols], val)
            else:
                plsc.store_scatter(buf.at[p], [rows, cols], val, mask=mask_last)

    def _pair(i, _):
        for p in range(2):
            g = 2 * i + p
            sem = sem0 if p == 0 else sem1

            @pl.when(i >= 1)
            def _prev():
                pltpu.make_async_copy(
                    buf.at[p], out_hbm.at[base_b + g - 2], sem).wait()
                _scatter(p, g - 2, zeros, tail_mask)

            _scatter(p, g, ones, tail_mask)
            pltpu.make_async_copy(
                buf.at[p], out_hbm.at[base_b + g], sem).start()
        return _
    lax.fori_loop(0, BPW // 2, _pair, None)

    pltpu.make_async_copy(buf.at[0], out_hbm.at[base_b + BPW - 2], sem0).wait()
    pltpu.make_async_copy(buf.at[1], out_hbm.at[base_b + BPW - 1], sem1).wait()


def kernel(x):
    mesh = plsc.VectorSubcoreMesh(core_axis_name="c", subcore_axis_name="s",
                                  num_cores=NC)
    f = pl.kernel(
        _sc_body,
        out_type=jax.ShapeDtypeStruct((B, L, V), jnp.float32),
        mesh=mesh,
        compiler_params=pltpu.CompilerParams(needs_layout_passes=False),
        scratch_types=[
            pltpu.VMEM((BPW * L + 16,), jnp.int32),
            pltpu.VMEM((2, L, V), jnp.float32),
            pltpu.SemaphoreType.DMA,
            pltpu.SemaphoreType.DMA,
        ],
    )
    return f(x.reshape(-1))

# --- scband reference (transcript-rebuilt; emitter-appended) ---
"""Pipeline reference for scband-one-hot-63574105915424 (READ-ONLY COPY).

The authoritative reference and input builder live on the scoring server;
editing this copy changes nothing except your own understanding.
"""

import jax, jax.numpy as jnp
import numpy as np

INPUT_DIM = 1000

def setup_inputs(seed: int = 0) -> dict:
    key = jax.random.key(seed)
    x = jax.random.randint(key, (1024, 50), 0, INPUT_DIM, dtype=jnp.int32)
    return {"x": x}

def reference(x) -> jnp.ndarray:
    # Faithful translation of K.one_hot(x, input_dim):
    # [B, L] int32 -> [B, L, input_dim] float32 one-hot.
    return jax.nn.one_hot(x, INPUT_DIM, dtype=jnp.float32)

if __name__ == "__main__":
    import jax
    _d = setup_inputs()
    print(jax.jit(kernel)(*tuple(_d.values())))

</pallas_src>

<mosaic_0001>
#map = affine_map<(d0, d1) -> (0)>
#map1 = affine_map<(d0, d1) -> (0, 0, 0)>
module attributes {stable_mosaic.version = 14 : i64} {
  func.func @_sc_body(%arg0: i32, %arg1: i32, %arg2: memref<51200xi32, #tpu.memory_space<hbm>>, %arg3: memref<1024x50x1000xf32, #tpu.memory_space<hbm>>, %arg4: memref<1616xi32, #tpu.memory_space<vmem>>, %arg5: memref<2x50x1000xf32, #tpu.memory_space<vmem>>, %arg6: memref<!tpu.dma_semaphore, #tpu.memory_space<semaphore_mem>>, %arg7: memref<!tpu.dma_semaphore, #tpu.memory_space<semaphore_mem>>) attributes {dimension_semantics = [#tpu.dimension_semantics<core_parallel>, #tpu.dimension_semantics<subcore_parallel>], iteration_bounds = array<i64: 2, 16>, scalar_prefetch = 0 : i64, scratch_operands = 4 : i64, tpu.core_type = #tpu.core_type<sc_vector_subcore>, window_params = [{transform_indices = #map}, {transform_indices = #map1}]} {
    %mul3A = arith.constant 2 : i32
    %mul3A_0 = arith.muli %arg1, %mul3A : i32
    %add3A = arith.addi %mul3A_0, %arg0 : i32
    %mul3A_1 = arith.constant 32 : i32
    %mul3A_2 = arith.muli %add3A, %mul3A_1 : i32
    %mul3A_3 = arith.constant 50 : i32
    %mul3A_4 = arith.muli %mul3A_2, %mul3A_3 : i32
    "tpu.region"() ({
      %run_scoped3A = tpu.sem_alloc : memref<!tpu.dma_semaphore, #tpu.memory_space<semaphore_mem>>
      %dma_start3A = arith.constant 0 : i32
      %dma_start3A_59 = tpu.memref_slice %arg4[%dma_start3A] : memref<1616xi32, #tpu.memory_space<vmem>> -> memref<1600xi32, #tpu.memory_space<vmem>>
      %dma_start3A_60 = tpu.memref_slice %arg2[%mul3A_4] : memref<51200xi32, #tpu.memory_space<hbm>> -> memref<1600xi32, #tpu.memory_space<hbm>>
      %dma_start3A_61 = arith.constant 0 : i32
      %dma_start3A_62 = tpu.memref_slice %arg4[%dma_start3A_61] : memref<1616xi32, #tpu.memory_space<vmem>> -> memref<1600xi32, #tpu.memory_space<vmem>>
      %dma_start3A_63 = tpu.memref_slice %arg2[%mul3A_4] : memref<51200xi32, #tpu.memory_space<hbm>> -> memref<1600xi32, #tpu.memory_space<hbm>>
      tpu.enqueue_dma source(%dma_start3A_63 : memref<1600xi32, #tpu.memory_space<hbm>>) target(%dma_start3A_62 : memref<1600xi32, #tpu.memory_space<vmem>>) target_semaphore(%run_scoped3A : memref<!tpu.dma_semaphore, #tpu.memory_space<semaphore_mem>>)
      %dma_wait3A_64 = arith.constant 0 : i32
      %dma_wait3A_65 = tpu.memref_slice %arg4[%dma_wait3A_64] : memref<1616xi32, #tpu.memory_space<vmem>> -> memref<1600xi32, #tpu.memory_space<vmem>>
      %dma_wait3A_66 = tpu.memref_slice %arg2[%mul3A_4] : memref<51200xi32, #tpu.memory_space<hbm>> -> memref<1600xi32, #tpu.memory_space<hbm>>
      %dma_wait3A_67 = arith.constant 0 : i32
      %dma_wait3A_68 = tpu.memref_slice %arg4[%dma_wait3A_67] : memref<1616xi32, #tpu.memory_space<vmem>> -> memref<1600xi32, #tpu.memory_space<vmem>>
      %dma_wait3A_69 = tpu.memref_slice %arg2[%mul3A_4] : memref<51200xi32, #tpu.memory_space<hbm>> -> memref<1600xi32, #tpu.memory_space<hbm>>
      tpu.wait_dma2 semaphore(%run_scoped3A : memref<!tpu.dma_semaphore, #tpu.memory_space<semaphore_mem>>) src(%dma_wait3A_69 : memref<1600xi32, #tpu.memory_space<hbm>>) dst(%dma_wait3A_68 : memref<1600xi32, #tpu.memory_space<vmem>>)
      tpu.yield
    }) : () -> ()
    %iota3A = tpu.iota {dimensions = array<i32: 0>} : vector<16xi32>
    %broadcast_in_dim3A = arith.constant 1.000000e+00 : f32
    %broadcast_in_dim3A_5 = vector.broadcast %broadcast_in_dim3A : f32 to vector<16xf32>
    %broadcast_in_dim3A_6 = arith.constant 0.000000e+00 : f32
    %broadcast_in_dim3A_7 = vector.broadcast %broadcast_in_dim3A_6 : f32 to vector<16xf32>
    %lt3A = arith.constant 2 : i32
    %lt3A_8 = vector.broadcast %lt3A : i32 to vector<16xi32>
    %lt3A_9 = arith.cmpi slt, %iota3A, %lt3A_8 : vector<16xi32>
    %scan3A = arith.constant 0 : i32
    %scan3A_10 = arith.constant 50 : i32
    %scan3A_11 = arith.addi %scan3A, %scan3A_10 : i32
    %scan3A_12 = arith.constant 1 : i32
    scf.for %scan3A_59 = %scan3A to %scan3A_11 step %scan3A_12  : i32 {
      %scan3A_60 = arith.constant 0 : i32
      %scan3A_61 = arith.constant 62 : i32
      %scan3A_62 = arith.addi %scan3A_60, %scan3A_61 : i32
      %scan3A_63 = arith.constant 1 : i32
      scf.for %scan3A_74 = %scan3A_60 to %scan3A_62 step %scan3A_63  : i32 {
        %mul3A_75 = arith.constant 16 : i32
        %mul3A_76 = arith.muli %scan3A_74, %mul3A_75 : i32
        %swap3A_77 = arith.constant 0 : i32
        %swap3A_78 = arith.index_cast %swap3A_77 : i32 to index
        %swap3A_79 = arith.index_cast %scan3A_59 : i32 to index
        %swap3A_80 = arith.index_cast %mul3A_76 : i32 to index
        %swap3A_81 = tpu.vector_load %arg5[%swap3A_78, %swap3A_79, %swap3A_80] {strides = array<i32>} : memref<2x50x1000xf32, #tpu.memory_space<vmem>>, vector<16xf32>,
        tpu.vector_store %arg5[%swap3A_78, %swap3A_79, %swap3A_80], %broadcast_in_dim3A_7 {strides = array<i32>} : memref<2x50x1000xf32, #tpu.memory_space<vmem>>, vector<16xf32>,
        %mul3A_82 = arith.constant 16 : i32
        %mul3A_83 = arith.muli %scan3A_74, %mul3A_82 : i32
        %swap3A_84 = arith.constant 1 : i32
        %swap3A_85 = arith.index_cast %swap3A_84 : i32 to index
        %swap3A_86 = arith.index_cast %scan3A_59 : i32 to index
        %swap3A_87 = arith.index_cast %mul3A_83 : i32 to index
        %swap3A_88 = tpu.vector_load %arg5[%swap3A_85, %swap3A_86, %swap3A_87] {strides = array<i32>} : memref<2x50x1000xf32, #tpu.memory_space<vmem>>, vector<16xf32>,
        tpu.vector_store %arg5[%swap3A_85, %swap3A_86, %swap3A_87], %broadcast_in_dim3A_7 {strides = array<i32>} : memref<2x50x1000xf32, #tpu.memory_space<vmem>>, vector<16xf32>,
      }
      %scan3A_64 = arith.constant 62 : i32
      %swap3A = arith.constant 0 : i32
      %swap3A_65 = arith.index_cast %swap3A : i32 to index
      %swap3A_66 = arith.index_cast %scan3A_59 : i32 to index
      %swap3A_67 = arith.constant 984 : index
      %swap3A_68 = tpu.vector_load %arg5[%swap3A_65, %swap3A_66, %swap3A_67] {strides = array<i32>} : memref<2x50x1000xf32, #tpu.memory_space<vmem>>, vector<16xf32>,
      tpu.vector_store %arg5[%swap3A_65, %swap3A_66, %swap3A_67], %broadcast_in_dim3A_7 {strides = array<i32>} : memref<2x50x1000xf32, #tpu.memory_space<vmem>>, vector<16xf32>,
      %swap3A_69 = arith.constant 1 : i32
      %swap3A_70 = arith.index_cast %swap3A_69 : i32 to index
      %swap3A_71 = arith.index_cast %scan3A_59 : i32 to index
      %swap3A_72 = arith.constant 984 : index
      %swap3A_73 = tpu.vector_load %arg5[%swap3A_70, %swap3A_71, %swap3A_72] {strides = array<i32>} : memref<2x50x1000xf32, #tpu.memory_space<vmem>>, vector<16xf32>,
      tpu.vector_store %arg5[%swap3A_70, %swap3A_71, %swap3A_72], %broadcast_in_dim3A_7 {strides = array<i32>} : memref<2x50x1000xf32, #tpu.memory_space<vmem>>, vector<16xf32>,
    }
    %scan3A_13 = arith.constant 50 : i32
    %scan3A_14 = arith.constant 0 : i32
    %scan3A_15 = arith.constant 16 : i32
    %scan3A_16 = arith.addi %scan3A_14, %scan3A_15 : i32
    %scan3A_17 = arith.constant 1 : i32
    scf.for %scan3A_59 = %scan3A_14 to %scan3A_16 step %scan3A_17  : i32 {
      %mul3A_60 = arith.constant 2 : i32
      %mul3A_61 = arith.muli %mul3A_60, %scan3A_59 : i32
      %add3A_62 = arith.constant 0 : i32
      %add3A_63 = arith.addi %mul3A_61, %add3A_62 : i32
      %ge3A = arith.constant 1 : i32
      %ge3A_64 = arith.cmpi sge, %scan3A_59, %ge3A : i32
      %convert_element_type3A = arith.extui %ge3A_64 : i1 to i32
      %cond3A = arith.constant 0 : i32
      %cond3A_65 = arith.cmpi ne, %convert_element_type3A, %cond3A : i32
      scf.if %cond3A_65 {
        %add3A_220 = arith.addi %mul3A_2, %add3A_63 : i32
        %sub3A_221 = arith.constant 2 : i32
        %sub3A_222 = arith.subi %add3A_220, %sub3A_221 : i32
        %dma_wait3A_223 = arith.constant 0 : i32
        %dma_wait3A_224 = arith.constant 0 : i32
        %dma_wait3A_225 = arith.constant 0 : i32
        %dma_wait3A_226 = tpu.memref_slice %arg5[%dma_wait3A_223, %dma_wait3A_224, %dma_wait3A_225] : memref<2x50x1000xf32, #tpu.memory_space<vmem>> -> memref<1x50x1000xf32, #tpu.memory_space<vmem>>
        %dma_wait3A_227 = tpu.memref_squeeze %dma_wait3A_226 : memref<1x50x1000xf32, #tpu.memory_space<vmem>> -> memref<50x1000xf32, #tpu.memory_space<vmem>>
        %dma_wait3A_228 = arith.constant 0 : i32
        %dma_wait3A_229 = arith.constant 0 : i32
        %dma_wait3A_230 = tpu.memref_slice %arg3[%sub3A_222, %dma_wait3A_228, %dma_wait3A_229] : memref<1024x50x1000xf32, #tpu.memory_space<hbm>> -> memref<1x50x1000xf32, #tpu.memory_space<hbm>>
        %dma_wait3A_231 = tpu.memref_squeeze %dma_wait3A_230 : memref<1x50x1000xf32, #tpu.memory_space<hbm>> -> memref<50x1000xf32, #tpu.memory_space<hbm>>
        %dma_wait3A_232 = arith.constant 0 : i32
        %dma_wait3A_233 = arith.constant 0 : i32
        %dma_wait3A_234 = tpu.memref_slice %arg3[%sub3A_222, %dma_wait3A_232, %dma_wait3A_233] : memref<1024x50x1000xf32, #tpu.memory_space<hbm>> -> memref<1x50x1000xf32, #tpu.memory_space<hbm>>
        %dma_wait3A_235 = tpu.memref_squeeze %dma_wait3A_234 : memref<1x50x1000xf32, #tpu.memory_space<hbm>> -> memref<50x1000xf32, #tpu.memory_space<hbm>>
        %dma_wait3A_236 = arith.constant 0 : i32
        %dma_wait3A_237 = arith.constant 0 : i32
        %dma_wait3A_238 = tpu.memref_slice %arg5[%dma_wait3A_223, %dma_wait3A_236, %dma_wait3A_237] : memref<2x50x1000xf32, #tpu.memory_space<vmem>> -> memref<1x50x1000xf32, #tpu.memory_space<vmem>>
        %dma_wait3A_239 = tpu.memref_squeeze %dma_wait3A_238 : memref<1x50x1000xf32, #tpu.memory_space<vmem>> -> memref<50x1000xf32, #tpu.memory_space<vmem>>
        tpu.wait_dma2 semaphore(%arg6 : memref<!tpu.dma_semaphore, #tpu.memory_space<semaphore_mem>>) src(%dma_wait3A_239 : memref<50x1000xf32, #tpu.memory_space<vmem>>) dst(%dma_wait3A_235 : memref<50x1000xf32, #tpu.memory_space<hbm>>)
        %sub3A_240 = arith.constant 2 : i32
        %sub3A_241 = arith.subi %add3A_63, %sub3A_240 : i32
        %mul3A_242 = arith.constant 50 : i32
        %mul3A_243 = arith.muli %sub3A_241, %mul3A_242 : i32
        %add3A_244 = arith.constant 0 : i32
        %add3A_245 = arith.addi %mul3A_243, %add3A_244 : i32
        %get3A_246 = arith.index_cast %add3A_245 : i32 to index
        %get3A_247 = tpu.vector_load %arg4[%get3A_246] {strides = array<i32>} : memref<1616xi32, #tpu.memory_space<vmem>>, vector<16xi32>,
        %add3A_248 = arith.constant 0 : i32
        %add3A_249 = vector.broadcast %add3A_248 : i32 to vector<16xi32>
        %add3A_250 = arith.addi %iota3A, %add3A_249 : vector<16xi32>
        %scatter3A_251 = arith.constant 0 : i32
        %scatter3A_252 = arith.constant 0 : i32
        %scatter3A_253 = arith.constant 0 : i32
        %scatter3A_254 = tpu.memref_slice %arg5[%scatter3A_251, %scatter3A_252, %scatter3A_253] : memref<2x50x1000xf32, #tpu.memory_space<vmem>> -> memref<1x50x1000xf32, #tpu.memory_space<vmem>>
        %scatter3A_255 = tpu.memref_squeeze %scatter3A_254 : memref<1x50x1000xf32, #tpu.memory_space<vmem>> -> memref<50x1000xf32, #tpu.memory_space<vmem>>
        tpu.vector_store_idx %scatter3A_255[%add3A_250, %get3A_247], %broadcast_in_dim3A_7 : memref<50x1000xf32, #tpu.memory_space<vmem>>[vector<16xi32>, vector<16xi32>], vector<16xf32>,
        %mul3A_256 = arith.constant 50 : i32
        %mul3A_257 = arith.muli %sub3A_241, %mul3A_256 : i32
        %add3A_258 = arith.constant 16 : i32
        %add3A_259 = arith.addi %mul3A_257, %add3A_258 : i32
        %get3A_260 = arith.index_cast %add3A_259 : i32 to index
        %get3A_261 = tpu.vector_load %arg4[%get3A_260] {strides = array<i32>} : memref<1616xi32, #tpu.memory_space<vmem>>, vector<16xi32>,
        %add3A_262 = arith.constant 16 : i32
        %add3A_263 = vector.broadcast %add3A_262 : i32 to vector<16xi32>
        %add3A_264 = arith.addi %iota3A, %add3A_263 : vector<16xi32>
        %scatter3A_265 = arith.constant 0 : i32
        %scatter3A_266 = arith.constant 0 : i32
        %scatter3A_267 = arith.constant 0 : i32
        %scatter3A_268 = tpu.memref_slice %arg5[%scatter3A_265, %scatter3A_266, %scatter3A_267] : memref<2x50x1000xf32, #tpu.memory_space<vmem>> -> memref<1x50x1000xf32, #tpu.memory_space<vmem>>
        %scatter3A_269 = tpu.memref_squeeze %scatter3A_268 : memref<1x50x1000xf32, #tpu.memory_space<vmem>> -> memref<50x1000xf32, #tpu.memory_space<vmem>>
        tpu.vector_store_idx %scatter3A_269[%add3A_264, %get3A_261], %broadcast_in_dim3A_7 : memref<50x1000xf32, #tpu.memory_space<vmem>>[vector<16xi32>, vector<16xi32>], vector<16xf32>,
        %mul3A_270 = arith.constant 50 : i32
        %mul3A_271 = arith.muli %sub3A_241, %mul3A_270 : i32
        %add3A_272 = arith.constant 32 : i32
        %add3A_273 = arith.addi %mul3A_271, %add3A_272 : i32
        %get3A_274 = arith.index_cast %add3A_273 : i32 to index
        %get3A_275 = tpu.vector_load %arg4[%get3A_274] {strides = array<i32>} : memref<1616xi32, #tpu.memory_space<vmem>>, vector<16xi32>,
        %add3A_276 = arith.constant 32 : i32
        %add3A_277 = vector.broadcast %add3A_276 : i32 to vector<16xi32>
        %add3A_278 = arith.addi %iota3A, %add3A_277 : vector<16xi32>
        %scatter3A_279 = arith.constant 0 : i32
        %scatter3A_280 = arith.constant 0 : i32
        %scatter3A_281 = arith.constant 0 : i32
        %scatter3A_282 = tpu.memref_slice %arg5[%scatter3A_279, %scatter3A_280, %scatter3A_281] : memref<2x50x1000xf32, #tpu.memory_space<vmem>> -> memref<1x50x1000xf32, #tpu.memory_space<vmem>>
        %scatter3A_283 = tpu.memref_squeeze %scatter3A_282 : memref<1x50x1000xf32, #tpu.memory_space<vmem>> -> memref<50x1000xf32, #tpu.memory_space<vmem>>
        tpu.vector_store_idx %scatter3A_283[%add3A_278, %get3A_275], %broadcast_in_dim3A_7 : memref<50x1000xf32, #tpu.memory_space<vmem>>[vector<16xi32>, vector<16xi32>], vector<16xf32>,
        %mul3A_284 = arith.constant 50 : i32
        %mul3A_285 = arith.muli %sub3A_241, %mul3A_284 : i32
        %add3A_286 = arith.constant 48 : i32
        %add3A_287 = arith.addi %mul3A_285, %add3A_286 : i32
        %get3A_288 = arith.index_cast %add3A_287 : i32 to index
        %get3A_289 = tpu.vector_load %arg4[%get3A_288] {strides = array<i32>} : memref<1616xi32, #tpu.memory_space<vmem>>, vector<16xi32>,
        %add3A_290 = arith.constant 48 : i32
        %add3A_291 = vector.broadcast %add3A_290 : i32 to vector<16xi32>
        %add3A_292 = arith.addi %iota3A, %add3A_291 : vector<16xi32>
        %scatter3A_293 = arith.constant 0 : i32
        %scatter3A_294 = arith.constant 0 : i32
        %scatter3A_295 = arith.constant 0 : i32
        %scatter3A_296 = tpu.memref_slice %arg5[%scatter3A_293, %scatter3A_294, %scatter3A_295] : memref<2x50x1000xf32, #tpu.memory_space<vmem>> -> memref<1x50x1000xf32, #tpu.memory_space<vmem>>
        %scatter3A_297 = tpu.memref_squeeze %scatter3A_296 : memref<1x50x1000xf32, #tpu.memory_space<vmem>> -> memref<50x1000xf32, #tpu.memory_space<vmem>>
        tpu.vector_store_idx %scatter3A_297[%add3A_292, %get3A_289], %broadcast_in_dim3A_7 masked %lt3A_9 : memref<50x1000xf32, #tpu.memory_space<vmem>>[vector<16xi32>, vector<16xi32>], vector<16xf32>, vector<16xi1>
      } else {
      }
      %mul3A_66 = arith.constant 50 : i32
      %mul3A_67 = arith.muli %add3A_63, %mul3A_66 : i32
      %add3A_68 = arith.constant 0 : i32
      %add3A_69 = arith.addi %mul3A_67, %add3A_68 : i32
      %get3A = arith.index_cast %add3A_69 : i32 to index
      %get3A_70 = tpu.vector_load %arg4[%get3A] {strides = array<i32>} : memref<1616xi32, #tpu.memory_space<vmem>>, vector<16xi32>,
      %add3A_71 = arith.constant 0 : i32
      %add3A_72 = vector.broadcast %add3A_71 : i32 to vector<16xi32>
      %add3A_73 = arith.addi %iota3A, %add3A_72 : vector<16xi32>
      %scatter3A = arith.constant 0 : i32
      %scatter3A_74 = arith.constant 0 : i32
      %scatter3A_75 = arith.constant 0 : i32
      %scatter3A_76 = tpu.memref_slice %arg5[%scatter3A, %scatter3A_74, %scatter3A_75] : memref<2x50x1000xf32, #tpu.memory_space<vmem>> -> memref<1x50x1000xf32, #tpu.memory_space<vmem>>
      %scatter3A_77 = tpu.memref_squeeze %scatter3A_76 : memref<1x50x1000xf32, #tpu.memory_space<vmem>> -> memref<50x1000xf32, #tpu.memory_space<vmem>>
      tpu.vector_store_idx %scatter3A_77[%add3A_73, %get3A_70], %broadcast_in_dim3A_5 : memref<50x1000xf32, #tpu.memory_space<vmem>>[vector<16xi32>, vector<16xi32>], vector<16xf32>,
      %mul3A_78 = arith.constant 50 : i32
      %mul3A_79 = arith.muli %add3A_63, %mul3A_78 : i32
      %add3A_80 = arith.constant 16 : i32
      %add3A_81 = arith.addi %mul3A_79, %add3A_80 : i32
      %get3A_82 = arith.index_cast %add3A_81 : i32 to index
      %get3A_83 = tpu.vector_load %arg4[%get3A_82] {strides = array<i32>} : memref<1616xi32, #tpu.memory_space<vmem>>, vector<16xi32>,
      %add3A_84 = arith.constant 16 : i32
      %add3A_85 = vector.broadcast %add3A_84 : i32 to vector<16xi32>
      %add3A_86 = arith.addi %iota3A, %add3A_85 : vector<16xi32>
      %scatter3A_87 = arith.constant 0 : i32
      %scatter3A_88 = arith.constant 0 : i32
      %scatter3A_89 = arith.constant 0 : i32
      %scatter3A_90 = tpu.memref_slice %arg5[%scatter3A_87, %scatter3A_88, %scatter3A_89] : memref<2x50x1000xf32, #tpu.memory_space<vmem>> -> memref<1x50x1000xf32, #tpu.memory_space<vmem>>
      %scatter3A_91 = tpu.memref_squeeze %scatter3A_90 : memref<1x50x1000xf32, #tpu.memory_space<vmem>> -> memref<50x1000xf32, #tpu.memory_space<vmem>>
      tpu.vector_store_idx %scatter3A_91[%add3A_86, %get3A_83], %broadcast_in_dim3A_5 : memref<50x1000xf32, #tpu.memory_space<vmem>>[vector<16xi32>, vector<16xi32>], vector<16xf32>,
      %mul3A_92 = arith.constant 50 : i32
      %mul3A_93 = arith.muli %add3A_63, %mul3A_92 : i32
      %add3A_94 = arith.constant 32 : i32
      %add3A_95 = arith.addi %mul3A_93, %add3A_94 : i32
      %get3A_96 = arith.index_cast %add3A_95 : i32 to index
      %get3A_97 = tpu.vector_load %arg4[%get3A_96] {strides = array<i32>} : memref<1616xi32, #tpu.memory_space<vmem>>, vector<16xi32>,
      %add3A_98 = arith.constant 32 : i32
      %add3A_99 = vector.broadcast %add3A_98 : i32 to vector<16xi32>
      %add3A_100 = arith.addi %iota3A, %add3A_99 : vector<16xi32>
      %scatter3A_101 = arith.constant 0 : i32
      %scatter3A_102 = arith.constant 0 : i32
      %scatter3A_103 = arith.constant 0 : i32
      %scatter3A_104 = tpu.memref_slice %arg5[%scatter3A_101, %scatter3A_102, %scatter3A_103] : memref<2x50x1000xf32, #tpu.memory_space<vmem>> -> memref<1x50x1000xf32, #tpu.memory_space<vmem>>
      %scatter3A_105 = tpu.memref_squeeze %scatter3A_104 : memref<1x50x1000xf32, #tpu.memory_space<vmem>> -> memref<50x1000xf32, #tpu.memory_space<vmem>>
      tpu.vector_store_idx %scatter3A_105[%add3A_100, %get3A_97], %broadcast_in_dim3A_5 : memref<50x1000xf32, #tpu.memory_space<vmem>>[vector<16xi32>, vector<16xi32>], vector<16xf32>,
      %mul3A_106 = arith.constant 50 : i32
      %mul3A_107 = arith.muli %add3A_63, %mul3A_106 : i32
      %add3A_108 = arith.constant 48 : i32
      %add3A_109 = arith.addi %mul3A_107, %add3A_108 : i32
      %get3A_110 = arith.index_cast %add3A_109 : i32 to index
      %get3A_111 = tpu.vector_load %arg4[%get3A_110] {strides = array<i32>} : memref<1616xi32, #tpu.memory_space<vmem>>, vector<16xi32>,
      %add3A_112 = arith.constant 48 : i32
      %add3A_113 = vector.broadcast %add3A_112 : i32 to vector<16xi32>
      %add3A_114 = arith.addi %iota3A, %add3A_113 : vector<16xi32>
      %scatter3A_115 = arith.constant 0 : i32
      %scatter3A_116 = arith.constant 0 : i32
      %scatter3A_117 = arith.constant 0 : i32
      %scatter3A_118 = tpu.memref_slice %arg5[%scatter3A_115, %scatter3A_116, %scatter3A_117] : memref<2x50x1000xf32, #tpu.memory_space<vmem>> -> memref<1x50x1000xf32, #tpu.memory_space<vmem>>
      %scatter3A_119 = tpu.memref_squeeze %scatter3A_118 : memref<1x50x1000xf32, #tpu.memory_space<vmem>> -> memref<50x1000xf32, #tpu.memory_space<vmem>>
      tpu.vector_store_idx %scatter3A_119[%add3A_114, %get3A_111], %broadcast_in_dim3A_5 masked %lt3A_9 : memref<50x1000xf32, #tpu.memory_space<vmem>>[vector<16xi32>, vector<16xi32>], vector<16xf32>, vector<16xi1>
      %add3A_120 = arith.addi %mul3A_2, %add3A_63 : i32
      %dma_start3A = arith.constant 0 : i32
      %dma_start3A_121 = arith.constant 0 : i32
      %dma_start3A_122 = arith.constant 0 : i32
      %dma_start3A_123 = tpu.memref_slice %arg5[%dma_start3A, %dma_start3A_121, %dma_start3A_122] : memref<2x50x1000xf32, #tpu.memory_space<vmem>> -> memref<1x50x1000xf32, #tpu.memory_space<vmem>>
      %dma_start3A_124 = tpu.memref_squeeze %dma_start3A_123 : memref<1x50x1000xf32, #tpu.memory_space<vmem>> -> memref<50x1000xf32, #tpu.memory_space<vmem>>
      %dma_start3A_125 = arith.constant 0 : i32
      %dma_start3A_126 = arith.constant 0 : i32
      %dma_start3A_127 = tpu.memref_slice %arg3[%add3A_120, %dma_start3A_125, %dma_start3A_126] : memref<1024x50x1000xf32, #tpu.memory_space<hbm>> -> memref<1x50x1000xf32, #tpu.memory_space<hbm>>
      %dma_start3A_128 = tpu.memref_squeeze %dma_start3A_127 : memref<1x50x1000xf32, #tpu.memory_space<hbm>> -> memref<50x1000xf32, #tpu.memory_space<hbm>>
      %dma_start3A_129 = arith.constant 0 : i32
      %dma_start3A_130 = arith.constant 0 : i32
      %dma_start3A_131 = tpu.memref_slice %arg3[%add3A_120, %dma_start3A_129, %dma_start3A_130] : memref<1024x50x1000xf32, #tpu.memory_space<hbm>> -> memref<1x50x1000xf32, #tpu.memory_space<hbm>>
      %dma_start3A_132 = tpu.memref_squeeze %dma_start3A_131 : memref<1x50x1000xf32, #tpu.memory_space<hbm>> -> memref<50x1000xf32, #tpu.memory_space<hbm>>
      %dma_start3A_133 = arith.constant 0 : i32
      %dma_start3A_134 = arith.constant 0 : i32
      %dma_start3A_135 = tpu.memref_slice %arg5[%dma_start3A, %dma_start3A_133, %dma_start3A_134] : memref<2x50x1000xf32, #tpu.memory_space<vmem>> -> memref<1x50x1000xf32, #tpu.memory_space<vmem>>
      %dma_start3A_136 = tpu.memref_squeeze %dma_start3A_135 : memref<1x50x1000xf32, #tpu.memory_space<vmem>> -> memref<50x1000xf32, #tpu.memory_space<vmem>>
      tpu.enqueue_dma source(%dma_start3A_136 : memref<50x1000xf32, #tpu.memory_space<vmem>>) target(%dma_start3A_132 : memref<50x1000xf32, #tpu.memory_space<hbm>>) target_semaphore(%arg6 : memref<!tpu.dma_semaphore, #tpu.memory_space<semaphore_mem>>)
      %mul3A_137 = arith.constant 2 : i32
      %mul3A_138 = arith.muli %mul3A_137, %scan3A_59 : i32
      %add3A_139 = arith.constant 1 : i32
      %add3A_140 = arith.addi %mul3A_138, %add3A_139 : i32
      %ge3A_141 = arith.constant 1 : i32
      %ge3A_142 = arith.cmpi sge, %scan3A_59, %ge3A_141 : i32
      %convert_element_type3A_143 = arith.extui %ge3A_142 : i1 to i32
      %cond3A_144 = arith.constant 0 : i32
      %cond3A_145 = arith.cmpi ne, %convert_element_type3A_143, %cond3A_144 : i32
      scf.if %cond3A_145 {
        %add3A_220 = arith.addi %mul3A_2, %add3A_140 : i32
        %sub3A_221 = arith.constant 2 : i32
        %sub3A_222 = arith.subi %add3A_220, %sub3A_221 : i32
        %dma_wait3A_223 = arith.constant 1 : i32
        %dma_wait3A_224 = arith.constant 0 : i32
        %dma_wait3A_225 = arith.constant 0 : i32
        %dma_wait3A_226 = tpu.memref_slice %arg5[%dma_wait3A_223, %dma_wait3A_224, %dma_wait3A_225] : memref<2x50x1000xf32, #tpu.memory_space<vmem>> -> memref<1x50x1000xf32, #tpu.memory_space<vmem>>
        %dma_wait3A_227 = tpu.memref_squeeze %dma_wait3A_226 : memref<1x50x1000xf32, #tpu.memory_space<vmem>> -> memref<50x1000xf32, #tpu.memory_space<vmem>>
        %dma_wait3A_228 = arith.constant 0 : i32
        %dma_wait3A_229 = arith.constant 0 : i32
        %dma_wait3A_230 = tpu.memref_slice %arg3[%sub3A_222, %dma_wait3A_228, %dma_wait3A_229] : memref<1024x50x1000xf32, #tpu.memory_space<hbm>> -> memref<1x50x1000xf32, #tpu.memory_space<hbm>>
        %dma_wait3A_231 = tpu.memref_squeeze %dma_wait3A_230 : memref<1x50x1000xf32, #tpu.memory_space<hbm>> -> memref<50x1000xf32, #tpu.memory_space<hbm>>
        %dma_wait3A_232 = arith.constant 0 : i32
        %dma_wait3A_233 = arith.constant 0 : i32
        %dma_wait3A_234 = tpu.memref_slice %arg3[%sub3A_222, %dma_wait3A_232, %dma_wait3A_233] : memref<1024x50x1000xf32, #tpu.memory_space<hbm>> -> memref<1x50x1000xf32, #tpu.memory_space<hbm>>
        %dma_wait3A_235 = tpu.memref_squeeze %dma_wait3A_234 : memref<1x50x1000xf32, #tpu.memory_space<hbm>> -> memref<50x1000xf32, #tpu.memory_space<hbm>>
        %dma_wait3A_236 = arith.constant 0 : i32
        %dma_wait3A_237 = arith.constant 0 : i32
        %dma_wait3A_238 = tpu.memref_slice %arg5[%dma_wait3A_223, %dma_wait3A_236, %dma_wait3A_237] : memref<2x50x1000xf32, #tpu.memory_space<vmem>> -> memref<1x50x1000xf32, #tpu.memory_space<vmem>>
        %dma_wait3A_239 = tpu.memref_squeeze %dma_wait3A_238 : memref<1x50x1000xf32, #tpu.memory_space<vmem>> -> memref<50x1000xf32, #tpu.memory_space<vmem>>
        tpu.wait_dma2 semaphore(%arg7 : memref<!tpu.dma_semaphore, #tpu.memory_space<semaphore_mem>>) src(%dma_wait3A_239 : memref<50x1000xf32, #tpu.memory_space<vmem>>) dst(%dma_wait3A_235 : memref<50x1000xf32, #tpu.memory_space<hbm>>)
        %sub3A_240 = arith.constant 2 : i32
        %sub3A_241 = arith.subi %add3A_140, %sub3A_240 : i32
        %mul3A_242 = arith.constant 50 : i32
        %mul3A_243 = arith.muli %sub3A_241, %mul3A_242 : i32
        %add3A_244 = arith.constant 0 : i32
        %add3A_245 = arith.addi %mul3A_243, %add3A_244 : i32
        %get3A_246 = arith.index_cast %add3A_245 : i32 to index
        %get3A_247 = tpu.vector_load %arg4[%get3A_246] {strides = array<i32>} : memref<1616xi32, #tpu.memory_space<vmem>>, vector<16xi32>,
        %add3A_248 = arith.constant 0 : i32
        %add3A_249 = vector.broadcast %add3A_248 : i32 to vector<16xi32>
        %add3A_250 = arith.addi %iota3A, %add3A_249 : vector<16xi32>
        %scatter3A_251 = arith.constant 1 : i32
        %scatter3A_252 = arith.constant 0 : i32
        %scatter3A_253 = arith.constant 0 : i32
        %scatter3A_254 = tpu.memref_slice %arg5[%scatter3A_251, %scatter3A_252, %scatter3A_253] : memref<2x50x1000xf32, #tpu.memory_space<vmem>> -> memref<1x50x1000xf32, #tpu.memory_space<vmem>>
        %scatter3A_255 = tpu.memref_squeeze %scatter3A_254 : memref<1x50x1000xf32, #tpu.memory_space<vmem>> -> memref<50x1000xf32, #tpu.memory_space<vmem>>
        tpu.vector_store_idx %scatter3A_255[%add3A_250, %get3A_247], %broadcast_in_dim3A_7 : memref<50x1000xf32, #tpu.memory_space<vmem>>[vector<16xi32>, vector<16xi32>], vector<16xf32>,
        %mul3A_256 = arith.constant 50 : i32
        %mul3A_257 = arith.muli %sub3A_241, %mul3A_256 : i32
        %add3A_258 = arith.constant 16 : i32
        %add3A_259 = arith.addi %mul3A_257, %add3A_258 : i32
        %get3A_260 = arith.index_cast %add3A_259 : i32 to index
        %get3A_261 = tpu.vector_load %arg4[%get3A_260] {strides = array<i32>} : memref<1616xi32, #tpu.memory_space<vmem>>, vector<16xi32>,
        %add3A_262 = arith.constant 16 : i32
        %add3A_263 = vector.broadcast %add3A_262 : i32 to vector<16xi32>
        %add3A_264 = arith.addi %iota3A, %add3A_263 : vector<16xi32>
        %scatter3A_265 = arith.constant 1 : i32
        %scatter3A_266 = arith.constant 0 : i32
        %scatter3A_267 = arith.constant 0 : i32
        %scatter3A_268 = tpu.memref_slice %arg5[%scatter3A_265, %scatter3A_266, %scatter3A_267] : memref<2x50x1000xf32, #tpu.memory_space<vmem>> -> memref<1x50x1000xf32, #tpu.memory_space<vmem>>
        %scatter3A_269 = tpu.memref_squeeze %scatter3A_268 : memref<1x50x1000xf32, #tpu.memory_space<vmem>> -> memref<50x1000xf32, #tpu.memory_space<vmem>>
        tpu.vector_store_idx %scatter3A_269[%add3A_264, %get3A_261], %broadcast_in_dim3A_7 : memref<50x1000xf32, #tpu.memory_space<vmem>>[vector<16xi32>, vector<16xi32>], vector<16xf32>,
        %mul3A_270 = arith.constant 50 : i32
        %mul3A_271 = arith.muli %sub3A_241, %mul3A_270 : i32
        %add3A_272 = arith.constant 32 : i32
        %add3A_273 = arith.addi %mul3A_271, %add3A_272 : i32
        %get3A_274 = arith.index_cast %add3A_273 : i32 to index
        %get3A_275 = tpu.vector_load %arg4[%get3A_274] {strides = array<i32>} : memref<1616xi32, #tpu.memory_space<vmem>>, vector<16xi32>,
        %add3A_276 = arith.constant 32 : i32
        %add3A_277 = vector.broadcast %add3A_276 : i32 to vector<16xi32>
        %add3A_278 = arith.addi %iota3A, %add3A_277 : vector<16xi32>
        %scatter3A_279 = arith.constant 1 : i32
        %scatter3A_280 = arith.constant 0 : i32
        %scatter3A_281 = arith.constant 0 : i32
        %scatter3A_282 = tpu.memref_slice %arg5[%scatter3A_279, %scatter3A_280, %scatter3A_281] : memref<2x50x1000xf32, #tpu.memory_space<vmem>> -> memref<1x50x1000xf32, #tpu.memory_space<vmem>>
        %scatter3A_283 = tpu.memref_squeeze %scatter3A_282 : memref<1x50x1000xf32, #tpu.memory_space<vmem>> -> memref<50x1000xf32, #tpu.memory_space<vmem>>
        tpu.vector_store_idx %scatter3A_283[%add3A_278, %get3A_275], %broadcast_in_dim3A_7 : memref<50x1000xf32, #tpu.memory_space<vmem>>[vector<16xi32>, vector<16xi32>], vector<16xf32>,
        %mul3A_284 = arith.constant 50 : i32
        %mul3A_285 = arith.muli %sub3A_241, %mul3A_284 : i32
        %add3A_286 = arith.constant 48 : i32
        %add3A_287 = arith.addi %mul3A_285, %add3A_286 : i32
        %get3A_288 = arith.index_cast %add3A_287 : i32 to index
        %get3A_289 = tpu.vector_load %arg4[%get3A_288] {strides = array<i32>} : memref<1616xi32, #tpu.memory_space<vmem>>, vector<16xi32>,
        %add3A_290 = arith.constant 48 : i32
        %add3A_291 = vector.broadcast %add3A_290 : i32 to vector<16xi32>
        %add3A_292 = arith.addi %iota3A, %add3A_291 : vector<16xi32>
        %scatter3A_293 = arith.constant 1 : i32
        %scatter3A_294 = arith.constant 0 : i32
        %scatter3A_295 = arith.constant 0 : i32
        %scatter3A_296 = tpu.memref_slice %arg5[%scatter3A_293, %scatter3A_294, %scatter3A_295] : memref<2x50x1000xf32, #tpu.memory_space<vmem>> -> memref<1x50x1000xf32, #tpu.memory_space<vmem>>
        %scatter3A_297 = tpu.memref_squeeze %scatter3A_296 : memref<1x50x1000xf32, #tpu.memory_space<vmem>> -> memref<50x1000xf32, #tpu.memory_space<vmem>>
        tpu.vector_store_idx %scatter3A_297[%add3A_292, %get3A_289], %broadcast_in_dim3A_7 masked %lt3A_9 : memref<50x1000xf32, #tpu.memory_space<vmem>>[vector<16xi32>, vector<16xi32>], vector<16xf32>, vector<16xi1>
      } else {
      }
      %mul3A_146 = arith.constant 50 : i32
      %mul3A_147 = arith.muli %add3A_140, %mul3A_146 : i32
      %add3A_148 = arith.constant 0 : i32
      %add3A_149 = arith.addi %mul3A_147, %add3A_148 : i32
      %get3A_150 = arith.index_cast %add3A_149 : i32 to index
      %get3A_151 = tpu.vector_load %arg4[%get3A_150] {strides = array<i32>} : memref<1616xi32, #tpu.memory_space<vmem>>, vector<16xi32>,
      %add3A_152 = arith.constant 0 : i32
      %add3A_153 = vector.broadcast %add3A_152 : i32 to vector<16xi32>
      %add3A_154 = arith.addi %iota3A, %add3A_153 : vector<16xi32>
      %scatter3A_155 = arith.constant 1 : i32
      %scatter3A_156 = arith.constant 0 : i32
      %scatter3A_157 = arith.constant 0 : i32
      %scatter3A_158 = tpu.memref_slice %arg5[%scatter3A_155, %scatter3A_156, %scatter3A_157] : memref<2x50x1000xf32, #tpu.memory_space<vmem>> -> memref<1x50x1000xf32, #tpu.memory_space<vmem>>
      %scatter3A_159 = tpu.memref_squeeze %scatter3A_158 : memref<1x50x1000xf32, #tpu.memory_space<vmem>> -> memref<50x1000xf32, #tpu.memory_space<vmem>>
      tpu.vector_store_idx %scatter3A_159[%add3A_154, %get3A_151], %broadcast_in_dim3A_5 : memref<50x1000xf32, #tpu.memory_space<vmem>>[vector<16xi32>, vector<16xi32>], vector<16xf32>,
      %mul3A_160 = arith.constant 50 : i32
      %mul3A_161 = arith.muli %add3A_140, %mul3A_160 : i32
      %add3A_162 = arith.constant 16 : i32
      %add3A_163 = arith.addi %mul3A_161, %add3A_162 : i32
      %get3A_164 = arith.index_cast %add3A_163 : i32 to index
      %get3A_165 = tpu.vector_load %arg4[%get3A_164] {strides = array<i32>} : memref<1616xi32, #tpu.memory_space<vmem>>, vector<16xi32>,
      %add3A_166 = arith.constant 16 : i32
      %add3A_167 = vector.broadcast %add3A_166 : i32 to vector<16xi32>
      %add3A_168 = arith.addi %iota3A, %add3A_167 : vector<16xi32>
      %scatter3A_169 = arith.constant 1 : i32
      %scatter3A_170 = arith.constant 0 : i32
      %scatter3A_171 = arith.constant 0 : i32
      %scatter3A_172 = tpu.memref_slice %arg5[%scatter3A_169, %scatter3A_170, %scatter3A_171] : memref<2x50x1000xf32, #tpu.memory_space<vmem>> -> memref<1x50x1000xf32, #tpu.memory_space<vmem>>
      %scatter3A_173 = tpu.memref_squeeze %scatter3A_172 : memref<1x50x1000xf32, #tpu.memory_space<vmem>> -> memref<50x1000xf32, #tpu.memory_space<vmem>>
      tpu.vector_store_idx %scatter3A_173[%add3A_168, %get3A_165], %broadcast_in_dim3A_5 : memref<50x1000xf32, #tpu.memory_space<vmem>>[vector<16xi32>, vector<16xi32>], vector<16xf32>,
      %mul3A_174 = arith.constant 50 : i32
      %mul3A_175 = arith.muli %add3A_140, %mul3A_174 : i32
      %add3A_176 = arith.constant 32 : i32
      %add3A_177 = arith.addi %mul3A_175, %add3A_176 : i32
      %get3A_178 = arith.index_cast %add3A_177 : i32 to index
      %get3A_179 = tpu.vector_load %arg4[%get3A_178] {strides = array<i32>} : memref<1616xi32, #tpu.memory_space<vmem>>, vector<16xi32>,
      %add3A_180 = arith.constant 32 : i32
      %add3A_181 = vector.broadcast %add3A_180 : i32 to vector<16xi32>
      %add3A_182 = arith.addi %iota3A, %add3A_181 : vector<16xi32>
      %scatter3A_183 = arith.constant 1 : i32
      %scatter3A_184 = arith.constant 0 : i32
      %scatter3A_185 = arith.constant 0 : i32
      %scatter3A_186 = tpu.memref_slice %arg5[%scatter3A_183, %scatter3A_184, %scatter3A_185] : memref<2x50x1000xf32, #tpu.memory_space<vmem>> -> memref<1x50x1000xf32, #tpu.memory_space<vmem>>
      %scatter3A_187 = tpu.memref_squeeze %scatter3A_186 : memref<1x50x1000xf32, #tpu.memory_space<vmem>> -> memref<50x1000xf32, #tpu.memory_space<vmem>>
      tpu.vector_store_idx %scatter3A_187[%add3A_182, %get3A_179], %broadcast_in_dim3A_5 : memref<50x1000xf32, #tpu.memory_space<vmem>>[vector<16xi32>, vector<16xi32>], vector<16xf32>,
      %mul3A_188 = arith.constant 50 : i32
      %mul3A_189 = arith.muli %add3A_140, %mul3A_188 : i32
      %add3A_190 = arith.constant 48 : i32
      %add3A_191 = arith.addi %mul3A_189, %add3A_190 : i32
      %get3A_192 = arith.index_cast %add3A_191 : i32 to index
      %get3A_193 = tpu.vector_load %arg4[%get3A_192] {strides = array<i32>} : memref<1616xi32, #tpu.memory_space<vmem>>, vector<16xi32>,
      %add3A_194 = arith.constant 48 : i32
      %add3A_195 = vector.broadcast %add3A_194 : i32 to vector<16xi32>
      %add3A_196 = arith.addi %iota3A, %add3A_195 : vector<16xi32>
      %scatter3A_197 = arith.constant 1 : i32
      %scatter3A_198 = arith.constant 0 : i32
      %scatter3A_199 = arith.constant 0 : i32
      %scatter3A_200 = tpu.memref_slice %arg5[%scatter3A_197, %scatter3A_198, %scatter3A_199] : memref<2x50x1000xf32, #tpu.memory_space<vmem>> -> memref<1x50x1000xf32, #tpu.memory_space<vmem>>
      %scatter3A_201 = tpu.memref_squeeze %scatter3A_200 : memref<1x50x1000xf32, #tpu.memory_space<vmem>> -> memref<50x1000xf32, #tpu.memory_space<vmem>>
      tpu.vector_store_idx %scatter3A_201[%add3A_196, %get3A_193], %broadcast_in_dim3A_5 masked %lt3A_9 : memref<50x1000xf32, #tpu.memory_space<vmem>>[vector<16xi32>, vector<16xi32>], vector<16xf32>, vector<16xi1>
      %add3A_202 = arith.addi %mul3A_2, %add3A_140 : i32
      %dma_start3A_203 = arith.constant 1 : i32
      %dma_start3A_204 = arith.constant 0 : i32
      %dma_start3A_205 = arith.constant 0 : i32
      %dma_start3A_206 = tpu.memref_slice %arg5[%dma_start3A_203, %dma_start3A_204, %dma_start3A_205] : memref<2x50x1000xf32, #tpu.memory_space<vmem>> -> memref<1x50x1000xf32, #tpu.memory_space<vmem>>
      %dma_start3A_207 = tpu.memref_squeeze %dma_start3A_206 : memref<1x50x1000xf32, #tpu.memory_space<vmem>> -> memref<50x1000xf32, #tpu.memory_space<vmem>>
      %dma_start3A_208 = arith.constant 0 : i32
      %dma_start3A_209 = arith.constant 0 : i32
      %dma_start3A_210 = tpu.memref_slice %arg3[%add3A_202, %dma_start3A_208, %dma_start3A_209] : memref<1024x50x1000xf32, #tpu.memory_space<hbm>> -> memref<1x50x1000xf32, #tpu.memory_space<hbm>>
      %dma_start3A_211 = tpu.memref_squeeze %dma_start3A_210 : memref<1x50x1000xf32, #tpu.memory_space<hbm>> -> memref<50x1000xf32, #tpu.memory_space<hbm>>
      %dma_start3A_212 = arith.constant 0 : i32
      %dma_start3A_213 = arith.constant 0 : i32
      %dma_start3A_214 = tpu.memref_slice %arg3[%add3A_202, %dma_start3A_212, %dma_start3A_213] : memref<1024x50x1000xf32, #tpu.memory_space<hbm>> -> memref<1x50x1000xf32, #tpu.memory_space<hbm>>
      %dma_start3A_215 = tpu.memref_squeeze %dma_start3A_214 : memref<1x50x1000xf32, #tpu.memory_space<hbm>> -> memref<50x1000xf32, #tpu.memory_space<hbm>>
      %dma_start3A_216 = arith.constant 0 : i32
      %dma_start3A_217 = arith.constant 0 : i32
      %dma_start3A_218 = tpu.memref_slice %arg5[%dma_start3A_203, %dma_start3A_216, %dma_start3A_217] : memref<2x50x1000xf32, #tpu.memory_space<vmem>> -> memref<1x50x1000xf32, #tpu.memory_space<vmem>>
      %dma_start3A_219 = tpu.memref_squeeze %dma_start3A_218 : memref<1x50x1000xf32, #tpu.memory_space<vmem>> -> memref<50x1000xf32, #tpu.memory_space<vmem>>
      tpu.enqueue_dma source(%dma_start3A_219 : memref<50x1000xf32, #tpu.memory_space<vmem>>) target(%dma_start3A_215 : memref<50x1000xf32, #tpu.memory_space<hbm>>) target_semaphore(%arg7 : memref<!tpu.dma_semaphore, #tpu.memory_space<semaphore_mem>>)
    }
    %scan3A_18 = arith.constant 16 : i32
    %add3A_19 = arith.constant 32 : i32
    %add3A_20 = arith.addi %mul3A_2, %add3A_19 : i32
    %sub3A = arith.constant 2 : i32
    %sub3A_21 = arith.subi %add3A_20, %sub3A : i32
    %dma_wait3A = arith.constant 0 : i32
    %dma_wait3A_22 = arith.constant 0 : i32
    %dma_wait3A_23 = arith.constant 0 : i32
    %dma_wait3A_24 = tpu.memref_slice %arg5[%dma_wait3A, %dma_wait3A_22, %dma_wait3A_23] : memref<2x50x1000xf32, #tpu.memory_space<vmem>> -> memref<1x50x1000xf32, #tpu.memory_space<vmem>>
    %dma_wait3A_25 = tpu.memref_squeeze %dma_wait3A_24 : memref<1x50x1000xf32, #tpu.memory_space<vmem>> -> memref<50x1000xf32, #tpu.memory_space<vmem>>
    %dma_wait3A_26 = arith.constant 0 : i32
    %dma_wait3A_27 = arith.constant 0 : i32
    %dma_wait3A_28 = tpu.memref_slice %arg3[%sub3A_21, %dma_wait3A_26, %dma_wait3A_27] : memref<1024x50x1000xf32, #tpu.memory_space<hbm>> -> memref<1x50x1000xf32, #tpu.memory_space<hbm>>
    %dma_wait3A_29 = tpu.memref_squeeze %dma_wait3A_28 : memref<1x50x1000xf32, #tpu.memory_space<hbm>> -> memref<50x1000xf32, #tpu.memory_space<hbm>>
    %dma_wait3A_30 = arith.constant 0 : i32
    %dma_wait3A_31 = arith.constant 0 : i32
    %dma_wait3A_32 = tpu.memref_slice %arg3[%sub3A_21, %dma_wait3A_30, %dma_wait3A_31] : memref<1024x50x1000xf32, #tpu.memory_space<hbm>> -> memref<1x50x1000xf32, #tpu.memory_space<hbm>>
    %dma_wait3A_33 = tpu.memref_squeeze %dma_wait3A_32 : memref<1x50x1000xf32, #tpu.memory_space<hbm>> -> memref<50x1000xf32, #tpu.memory_space<hbm>>
    %dma_wait3A_34 = arith.constant 0 : i32
    %dma_wait3A_35 = arith.constant 0 : i32
    %dma_wait3A_36 = tpu.memref_slice %arg5[%dma_wait3A, %dma_wait3A_34, %dma_wait3A_35] : memref<2x50x1000xf32, #tpu.memory_space<vmem>> -> memref<1x50x1000xf32, #tpu.memory_space<vmem>>
    %dma_wait3A_37 = tpu.memref_squeeze %dma_wait3A_36 : memref<1x50x1000xf32, #tpu.memory_space<vmem>> -> memref<50x1000xf32, #tpu.memory_space<vmem>>
    tpu.wait_dma2 semaphore(%arg6 : memref<!tpu.dma_semaphore, #tpu.memory_space<semaphore_mem>>) src(%dma_wait3A_37 : memref<50x1000xf32, #tpu.memory_space<vmem>>) dst(%dma_wait3A_33 : memref<50x1000xf32, #tpu.memory_space<hbm>>)
    %add3A_38 = arith.constant 32 : i32
    %add3A_39 = arith.addi %mul3A_2, %add3A_38 : i32
    %sub3A_40 = arith.constant 1 : i32
    %sub3A_41 = arith.subi %add3A_39, %sub3A_40 : i32
    %dma_wait3A_42 = arith.constant 1 : i32
    %dma_wait3A_43 = arith.constant 0 : i32
    %dma_wait3A_44 = arith.constant 0 : i32
    %dma_wait3A_45 = tpu.memref_slice %arg5[%dma_wait3A_42, %dma_wait3A_43, %dma_wait3A_44] : memref<2x50x1000xf32, #tpu.memory_space<vmem>> -> memref<1x50x1000xf32, #tpu.memory_space<vmem>>
    %dma_wait3A_46 = tpu.memref_squeeze %dma_wait3A_45 : memref<1x50x1000xf32, #tpu.memory_space<vmem>> -> memref<50x1000xf32, #tpu.memory_space<vmem>>
    %dma_wait3A_47 = arith.constant 0 : i32
    %dma_wait3A_48 = arith.constant 0 : i32
    %dma_wait3A_49 = tpu.memref_slice %arg3[%sub3A_41, %dma_wait3A_47, %dma_wait3A_48] : memref<1024x50x1000xf32, #tpu.memory_space<hbm>> -> memref<1x50x1000xf32, #tpu.memory_space<hbm>>
    %dma_wait3A_50 = tpu.memref_squeeze %dma_wait3A_49 : memref<1x50x1000xf32, #tpu.memory_space<hbm>> -> memref<50x1000xf32, #tpu.memory_space<hbm>>
    %dma_wait3A_51 = arith.constant 0 : i32
    %dma_wait3A_52 = arith.constant 0 : i32
    %dma_wait3A_53 = tpu.memref_slice %arg3[%sub3A_41, %dma_wait3A_51, %dma_wait3A_52] : memref<1024x50x1000xf32, #tpu.memory_space<hbm>> -> memref<1x50x1000xf32, #tpu.memory_space<hbm>>
    %dma_wait3A_54 = tpu.memref_squeeze %dma_wait3A_53 : memref<1x50x1000xf32, #tpu.memory_space<hbm>> -> memref<50x1000xf32, #tpu.memory_space<hbm>>
    %dma_wait3A_55 = arith.constant 0 : i32
    %dma_wait3A_56 = arith.constant 0 : i32
    %dma_wait3A_57 = tpu.memref_slice %arg5[%dma_wait3A_42, %dma_wait3A_55, %dma_wait3A_56] : memref<2x50x1000xf32, #tpu.memory_space<vmem>> -> memref<1x50x1000xf32, #tpu.memory_space<vmem>>
    %dma_wait3A_58 = tpu.memref_squeeze %dma_wait3A_57 : memref<1x50x1000xf32, #tpu.memory_space<vmem>> -> memref<50x1000xf32, #tpu.memory_space<vmem>>
    tpu.wait_dma2 semaphore(%arg7 : memref<!tpu.dma_semaphore, #tpu.memory_space<semaphore_mem>>) src(%dma_wait3A_58 : memref<50x1000xf32, #tpu.memory_space<vmem>>) dst(%dma_wait3A_54 : memref<50x1000xf32, #tpu.memory_space<hbm>>)
    return
  }
}

</mosaic_0001>

<sc_bundles>
// kernel: kernel.3.cloned.1.call-start
scs
__scs_entry_jumppad:
0x0: {  	(pc) =	sbr.rel $0x88, $3  }
0x1: {  	(tag) =	ssettag $0x0;
	lr =	simm.s32 $0x1  }
0x2: {  	[smem:$0x3FA0] =	sst lr;
	_ =	strace $0xD0000000  }
0x3: {  	_ = 	snop  }
0x4: {  	_ = 	snop  }
0x5: {  	_ = 	snop  }
0x6: {  	_ = 	snop  }
0x7: {  	_ = 	snop  }
__scs_overlays_trampoline_lowered:
0x8: {  	[smem:$0x3FAF] =	sst s0  }
0x9: {  	[smem:$0x3FB0] =	sst s1  }
0xa: {  	[smem:$0x3FB1] =	sst s2  }
0xb: {  	[smem:$0x3FB2] =	sst s3  }
0xc: {  	[smem:$0x3FB3] =	sst s4  }
0xd: {  	[smem:$0x3FB4] =	sst s5  }
0xe: {  	[smem:$0x3FB5] =	sst s6  }
0xf: {  	[smem:$0x3FB6] =	sst s7  }
0x10: {  	[smem:$0x3FB7] =	sst s8  }
0x11: {  	[smem:$0x3FB8] =	sst s9;
	s0 =	simm.s32 @!p0 $0x0  }
0x12: {  	s1 =	sld [smem:$0x3F9E];
	s0 =	simm.s32 @p0 $0x1  }
0x13: {  	[smem:$0x3FB9] =	sst s0;
	s0 =	simm.s32 @!p1 $0x0  }
0x14: {  	s2 =	sld [smem:$0x3F9D];
	s0 =	simm.s32 @p1 $0x1  }
0x15: {  	[smem:$0x3FBA] =	sst s0;
	s0 =	simm.s32 @!p2 $0x0  }
0x16: {  	s3 =	sld [smem:$0x3FDB];
	s0 =	simm.s32 @p2 $0x1  }
0x17: {  	s4 =	simm.s32 $0x1BF5;
	[smem:$0x3FBC] =	sst s0  }
0x18: {  	s0 =	sld [smem:$0x3F9F];
	_ =	swait.ge [sflag:s4], $0x0  }
0x19: {  	s7 =	sld [smem:$0x3FA0]  }
0x1a: {  	s8 =	sadd.s32 $0xFFFFE003, lr  }
0x1b: {  	s9 =	sadd.s32 $0xFFFFFEF7, lr;
	s5 =	simm.s32 $0xFFFFFFFF;
	p2 =	slt.u32 s8, $0xFFFFF086  }
0x1c: {  	p1 =	slt.u32 s9, $0xF7A;
	s5 =	simm.s32 @!p2 $0x0  }
0x1d: {  	s5 =	simm.s32 @p1 $0x1;
	p0 =	seq.s32 s7, s2  }
0x1e: {  	s7 =	smul.u32 @!p0 $0xF7A, s2;
	p2 =	seq.s32 @!p0 s5, $0x0  }
0x1f: {  	s9 =	smul.u32 $0xF7A, s1;
	s8 =	simm.s32 @!p0 $0x1BF5;
	p2 =	por !p2, p0  }
0x20: {  	[sflag:s8] =	ssyncset.s32 @!p0 $0xFFFFF086;
	s6 =	sadd.s32 @!p0 s3, s7;
	s7 =	simm.s32 @!p0 $0x108  }
0x21: {  	s3 =	sadd.s32 s3, s9;
	s6 =	sadd.s32 @!p0 $0x88, s6;
	s7 =	simm.s32 @p2 $0x1082  }
0x22: {  	[simem:s7], [sflag:s8] =	dma.local @!p0 [hbm:s6], $0xF7A  }
0x23: {  	s9 =	sor.u32 $0xD0000000, s2;
	s6 =	simm.s32 $0x108;
	_ =	swait.ge @!p0 [sflag:s8], $0x0  }
0x24: {  	s3 =	sadd.s32 $0x88, s3;
	s6 =	simm.s32 @!p1 $0x1082;
	[sflag:s4] =	ssyncset.s32 $0xFFFFF086  }
0x25: {  	[simem:s6], [sflag:s4] =	dma.local [hbm:s3], $0xF7A  }
0x26: {  	[smem:$0x3FA0] =	sst s1;
	(tag) =	ssettag s2;
	_ =	strace s9  }
0x27: {  	s1 =	sld [smem:$0x3FB0]  }
0x28: {  	s2 =	sld [smem:$0x3FB1]  }
0x29: {  	s4 =	sld [smem:$0x3FB3]  }
0x2a: {  	p0 =	seq.s32 s5, $0x0;
	s5 =	sld [smem:$0x3FB4]  }
0x2b: {  	s6 =	sld [smem:$0x3FB5]  }
0x2c: {  	s7 =	sld [smem:$0x3FB6]  }
0x2d: {  	s3 =	simm.s32 $0x108;
	s8 =	sld [smem:$0x3FB7]  }
0x2e: {  	s3 =	simm.s32 @!p0 $0x1082;
	s9 =	sld [smem:$0x3FB8]  }
0x2f: {  	lr =	sadd.s32 s0, s3;
	s0 =	sld [smem:$0x3FAF]  }
0x30: {  	s3 =	sld [smem:$0x3FB2]  }
0x31: {  	[smem:$0x3FBB] =	sst s10  }
0x32: {  	s10 =	sld [smem:$0x3FB9];
	_ =	sdelay $0x3  }
0x33: {  	p0 =	seq.s32 s10, $0x1;
	s10 =	sld [smem:$0x3FBB];
	_ =	sdelay $0x3  }
0x34: {  	[smem:$0x3FBB] =	sst s10  }
0x35: {  	s10 =	sld [smem:$0x3FBA];
	_ =	sdelay $0x3  }
0x36: {  	p1 =	seq.s32 s10, $0x1;
	s10 =	sld [smem:$0x3FBB];
	_ =	sdelay $0x3  }
0x37: {  	[smem:$0x3FBB] =	sst s10  }
0x38: {  	s10 =	sld [smem:$0x3FBC]  }
0x39: {  	_ = 	snop;
	(pc) =	sbr.ind lr, $3  }
0x3a: {  	_ = 	snop  }
0x3b: {  	_ = 	snop  }
0x3c: {  	p2 =	seq.s32 s10, $0x1;
	s10 =	sld [smem:$0x3FBB]  }
0x3d: {  	_ =	shalt  }
0x3e: {  	_ =	shalt  }
0x3f: {  	_ =	shalt  }
0x40: {  	_ =	shalt  }
0x41: {  	_ =	shalt  }
0x42: {  	_ =	shalt  }
0x43: {  	_ =	shalt  }
0x44: {  	_ =	shalt  }
0x45: {  	_ =	shalt  }
0x46: {  	_ =	shalt  }
0x47: {  	_ =	shalt  }
0x48: {  	_ =	shalt  }
0x49: {  	_ =	shalt  }
0x4a: {  	_ =	shalt  }
0x4b: {  	_ =	shalt  }
0x4c: {  	_ =	shalt  }
0x4d: {  	_ =	shalt  }
0x4e: {  	_ =	shalt  }
0x4f: {  	_ =	shalt  }
0x50: {  	_ =	shalt  }
0x51: {  	_ =	shalt  }
0x52: {  	_ =	shalt  }
0x53: {  	_ =	shalt  }
0x54: {  	_ =	shalt  }
0x55: {  	_ =	shalt  }
0x56: {  	_ =	shalt  }
0x57: {  	_ =	shalt  }
0x58: {  	_ =	shalt  }
0x59: {  	_ =	shalt  }
0x5a: {  	_ =	shalt  }
0x5b: {  	_ =	shalt  }
0x5c: {  	_ =	shalt  }
0x5d: {  	_ =	shalt  }
0x5e: {  	_ =	shalt  }
0x5f: {  	_ =	shalt  }
0x60: {  	_ =	shalt  }
0x61: {  	_ =	shalt  }
0x62: {  	_ =	shalt  }
0x63: {  	_ =	shalt  }
0x64: {  	_ =	shalt  }
0x65: {  	_ =	shalt  }
0x66: {  	_ =	shalt  }
0x67: {  	_ =	shalt  }
0x68: {  	_ =	shalt  }
0x69: {  	_ =	shalt  }
0x6a: {  	_ =	shalt  }
0x6b: {  	_ =	shalt  }
0x6c: {  	_ =	shalt  }
0x6d: {  	_ =	shalt  }
0x6e: {  	_ =	shalt  }
0x6f: {  	_ =	shalt  }
0x70: {  	_ =	shalt  }
0x71: {  	_ =	shalt  }
0x72: {  	_ =	shalt  }
0x73: {  	_ =	shalt  }
0x74: {  	_ =	shalt  }
0x75: {  	_ =	shalt  }
0x76: {  	_ =	shalt  }
0x77: {  	_ =	shalt  }
0x78: {  	_ =	shalt  }
0x79: {  	_ =	shalt  }
0x7a: {  	_ =	shalt  }
0x7b: {  	_ =	shalt  }
0x7c: {  	_ =	shalt  }
0x7d: {  	_ =	shalt  }
0x7e: {  	_ =	shalt  }
0x7f: {  	_ =	shalt  }
0x80: {  	_ =	shalt  }
0x81: {  	_ =	shalt  }
0x82: {  	_ =	shalt  }
0x83: {  	_ =	shalt  }
0x84: {  	_ =	shalt  }
0x85: {  	_ =	shalt  }
0x86: {  	_ =	shalt  }
0x87: {  	_ =	shalt  }
.Lfunc_end0:
.L_simem_size_0:
called_computation_lowered:
.L_overlay_start_0:
0x88: {  	s2 =	sld [smem:$0x3FD9]  }
0x89: {  	s3 =	sld [smem:$0x3FFE];
	_ =	sdelay $0x1  }
0x8a: {  	s1 =	srdreg.scid  }
0x8b: {  	s0 =	sand.u32 $0x1, s1  }
0x8c: {  	s17 =	sshll.u32 s0, $0xA;
	s2 =	sadd.s32 s3, s2  }
0x8d: {  	s2 =	sadd.s32 s2, s17  }
0x8e: {  	[smem:$0x3FC7] =	sst s2  }
0x8f: {  	_ = 	snop  }
0x90: {  	s2 =	sld [smem:$0x3FD0];
	(tm) =	ssettm $0x1  }
0x91: {  	s18 =	sld [smem:$0x3FFB];
	_ =	sdelay $0x3  }
0x92: {  	_ =	strace s18  }
0x93: {  	s3 =	sld [smem:$0x3FFC];
	_ =	sdelay $0x3  }
0x94: {  	_ =	strace s3  }
0x95: {  	s3 =	sld [smem:$0x3FFD];
	_ =	sdelay $0x3  }
0x96: {  	_ =	strace s3  }
0x97: {  	_ =	strace $0x8FFFFFFF  }
0x98: {  	s19 =	sld [smem:$0x3FDB];
	_ =	sdelay $0x1  }
0x99: {  	s4 =	simm.s32 $_scs_section_size  }
0x9a: {  	s5 =	simm.s32 $_size__tile_overlayer_lowered;
	s6 =	simm.s32 $_tile_overlayer_lowered  }
0x9b: {  	s22 =	simm.s32 $0x1BFF;
	s21 =	sshll.u32 s6, $0x1;
	s3 =	sadd.s32 s4, s19  }
0x9c: {  	s7 =	simm.s32 $0x0;
	s20 =	sshll.u32 s5, $0x1;
	s5 =	sadd.s32 s21, s3  }
0x9d: {  	[timem:s7], [sflag:s22] =	dma.local [hbm:s5], s20  }
0x9e: {  	_ =	swait.ge [sflag:s22], s20  }
0x9f: {  	s4 =	ssub.s32 $0x0, s20;
	[sflag:s22] =	ssyncset.done $0x0  }
0xa0: {  	[sflag:s22] =	ssyncadd.s32 s4;
	_ =	sdelay $0x1  }
0xa1: {  	s23 =	simm.s32 $0x1B8B  }
0xa2: {  	_ =	swait.ge [sflag:s23], $0x1  }
0xa3: {  	[sflag:s23] =	ssyncset.done $0x0  }
0xa4: {  	s25 =	simm.s32 $0x1B8E;
	s24 =	sld [smem:$0x3FFE];
	[sflag:s23] =	ssyncadd.s32 $0xFFFFFFFF  }
0xa5: {  	s26 =	simm.s32 $execute0_lowered;
	[smem:$0x3FD2] =	sst s25  }
0xa6: {  	s5 =	sshll.u32 s26, $0x1;
	_ =	strace $0x80000046;
	[dreg:$0x1] =	wrdreg $0xFFFFFFFF  }
0xa7: {  	s28 =	simm.s32 $_size_execute0_lowered;
	s3 =	sadd.s32 s3, s5;
	[dreg:$0x0] =	wrdreg $0x0  }
0xa8: {  	s5 =	sshll.u32 s28, $0x1;
	[dreg:$0x2] =	wrdreg s3  }
0xa9: {  	[dreg:$0x3] =	wrdreg s5  }
0xaa: {  	[dreg:$0x4] =	wrdreg $0xC0  }
0xab: {  	_ =	task [dreg:s7], $0x5FFFF  }
0xac: {  	[dreg:$0x1] =	wrdreg $0xFFFFFFFF  }
0xad: {  	[dreg:$0x0] =	wrdreg $0x60  }
0xae: {  	[dreg:$0x2] =	wrdreg s2  }
0xaf: {  	[dreg:$0x3] =	wrdreg s24  }
0xb0: {  	[dreg:$0x4] =	wrdreg $0x9  }
0xb1: {  	_ =	task.clear_ibuf [dreg:s7], $0x5FFFF;
	_ =	strace $0x90000046  }
0xb2: {  	s29 =	simm.s32 $0x9;
	_ =	strace $0x80000048  }
0xb3: {  	_ =	swait.ge [sflag:s29], $0x1  }
0xb4: {  	[sflag:s29] =	ssyncadd.s32 $0xFFFFFFFF  }
0xb5: {  	_ =	strace $0x90000048  }
0xb6: {  	_ =	sfence  }
0xb7: {  	s30 =	sld [smem:$0x0];
	_ =	sdelay $0x2  }
0xb8: {  	s31 =	sshll.u32 s1, $0xD;
	s1 =	sshrl.u32 s1, $0x2  }
0xb9: {  	s3 =	sand.u32 $0x4000, s31;
	s1 =	sadd.s32 s1, s30  }
0xba: {  	s0 =	sor.u32 s3, s0;
	s1 =	sshll.u32 s1, $0x11  }
0xbb: {  	s0 =	sor.u32 s1, s0  }
0xbc: {  	s0 =	sadd.s32 $0x8F2B, s0  }
0xbd: {  	[sflag:s0] =	ssyncadd.remote.s32 $0x1  }
0xbe: {  	_ =	sfence.sel $0xFFFF  }
0xbf: {  	[dreg:$0x0] =	wrdreg $0xFFFFFFFF;
	(pc) =	sbr.abs _section_cstart, $3  }
0xc0: {  	[dreg:$0x1] =	wrdreg $0xFFFFFFFF  }
0xc1: {  	_ =	task.clear_ibuf [dreg:s7], $0x2FFFF;
	_ =	strace $0x9FFFFFFF  }
0xc2: {  	(tm) =	ssettm $0x7FFFFFFF  }
0xc3: {  	_ =	shalt  }
tec
execute0_lowered:
.L_overlay_start_1:
0x0: {  	(tag) =	ssettag $0x1  }
0x1: {  	v0 =	vimm.s32 $0x2380;
	vm14 =	vcmask $0x300;
	vm13 =	vcmask $0x704  }
0x2: {  	vm12 =	vcmask $0xB08;
	vm11 =	vcmask $0xF0C;
	vm10 =	vcmask $0x1310  }
0x3: {  	vm9 =	vcmask $0x1714;
	vm8 =	vcmask $0x1B18;
	vm7 =	vcmask $0x1F1C  }
0x4: {  	vm6 =	vcmask $0x2320;
	vm5 =	vcmask $0x2724;
	vm4 =	vcmask $0x2B28  }
0x5: {  	vm3 =	vcmask $0x2F2C;
	vm2 =	vcmask $0x3330;
	vm1 =	vcmask $0x3734  }
0x6: {  	vm0 =	vcmask $0x3B38;
	v2 =	vimm.f32 $1.000000000e+00;
	v3 =	vimm.s32 $0x6380  }
0x7: {  	v4 =	vimm.s32 $0xA380;
	v5 =	vimm.s32 $0xE380;
	v0 =	vsel vm14, $0x0, v0  }
0x8: {  	v3 =	vsel vm14, $0x4000, v3;
	v4 =	vsel vm14, $0x8000, v4;
	v5 =	vsel vm14, $0xC000, v5  }
0x9: {  	v0 =	vsel vm13, $0x80, v0;
	v3 =	vsel vm13, $0x4080, v3;
	v4 =	vsel vm13, $0x8080, v4  }
0xa: {  	v5 =	vsel vm13, $0xC080, v5;
	v0 =	vsel vm12, $0x100, v0;
	v3 =	vsel vm12, $0x4100, v3  }
0xb: {  	v4 =	vsel vm12, $0x8100, v4;
	v5 =	vsel vm12, $0xC100, v5;
	v0 =	vsel vm11, $0x180, v0  }
0xc: {  	v3 =	vsel vm11, $0x4180, v3;
	v4 =	vsel vm11, $0x8180, v4;
	v5 =	vsel vm11, $0xC180, v5  }
0xd: {  	v0 =	vsel vm10, $0x200, v0;
	v3 =	vsel vm10, $0x4200, v3;
	v4 =	vsel vm10, $0x8200, v4  }
0xe: {  	v5 =	vsel vm10, $0xC200, v5;
	v0 =	vsel vm9, $0x280, v0;
	v3 =	vsel vm9, $0x4280, v3  }
0xf: {  	v4 =	vsel vm9, $0x8280, v4;
	v5 =	vsel vm9, $0xC280, v5;
	v0 =	vsel vm8, $0x300, v0  }
0x10: {  	v3 =	vsel vm8, $0x4300, v3;
	v4 =	vsel vm8, $0x8300, v4;
	v5 =	vsel vm8, $0xC300, v5  }
0x11: {  	s3 =	rddreg [dreg:$0x0];
	v0 =	vsel vm7, $0x380, v0;
	v3 =	vsel vm7, $0x4380, v3;
	v4 =	vsel vm7, $0x8380, v4  }
0x12: {  	s4 =	rddreg [dreg:$0x1];
	v5 =	vsel vm7, $0xC380, v5;
	v0 =	vsel vm6, $0x2000, v0;
	v3 =	vsel vm6, $0x6000, v3  }
0x13: {  	s0 =	rddreg [dreg:$0x2];
	s1 =	simm.s32 $0x0;
	v4 =	vsel vm6, $0xA000, v4;
	v5 =	vsel vm6, $0xE000, v5;
	v0 =	vsel vm5, $0x2080, v0  }
0x14: {  	s2 =	stileid.u32;
	s5 =	srdreg.scid;
	s9 =	simm.s32 $0x1;
	v3 =	vsel vm5, $0x6080, v3;
	v4 =	vsel vm5, $0xA080, v4;
	v5 =	vsel vm5, $0xE080, v5  }
0x15: {  	s10 =	simm.s32 $0x2;
	s11 =	simm.s32 $0x0;
	[smem:$0x7FF] =	sst s1;
	v0 =	vsel vm4, $0x2100, v0;
	v3 =	vsel vm4, $0x6100, v3;
	v4 =	vsel vm4, $0xA100, v4  }
0x16: {  	s6 =	smul.u32 $0x70000, s2;
	s5 =	sand.u32 $0x1, s5;
	s7 =	sshll.u32 s2, $0x1;
	v5 =	vsel vm4, $0xE100, v5;
	v0 =	vsel vm3, $0x2180, v0;
	v3 =	vsel vm3, $0x6180, v3  }
0x17: {  	s8 =	ssub.s32 $0x2, s5;
	s7 =	sor.u32 s5, s7;
	s5 =	smul.u32 $0x38000, s5;
	v4 =	vsel vm3, $0xA180, v4;
	v5 =	vsel vm3, $0xE180, v5;
	v0 =	vsel vm2, $0x2200, v0  }
0x18: {  	s4 =	sadd.s32 s6, s4;
	s31 =	sshrl.u32 s8, $0x1;
	s7 =	smul.u32 $0xC8, s7;
	v3 =	vsel vm2, $0x6200, v3;
	v4 =	vsel vm2, $0xA200, v4;
	v5 =	vsel vm2, $0xE200, v5  }
0x19: {  	_ =	strace $0x80000047;
	s6 =	ssub.s32 s8, s31;
	s5 =	sadd.s32 s5, s4;
	v1 =	vsel vm1, $0x2280, v0;
	v0 =	vimm.f32 $0.0e+00;
	v3 =	vsel vm1, $0x6280, v3  }
0x1a: {  	s8 =	simm.s32 $0xE680;
	s3 =	sadd.s32 s3, s7;
	s4 =	smax.u32 s6, $0x1;
	v4 =	vsel vm1, $0xA280, v4;
	v5 =	vsel vm1, $0xE280, v5;
	v1 =	vsel vm0, $0x2300, v1  }
0x1b: {  	s5 =	sadd.s32 $0x400, s5;
	s6 =	simm.s32 $0x3;
	s7 =	simm.s32 $0x680;
	v3 =	vsel vm0, $0x6300, v3;
	v4 =	vsel vm0, $0xA300, v4;
	v5 =	vsel vm0, $0xE300, v5  }
.LBB2_1:
0x1c: {  	[tilespmem:s1], [sflag:$0x3] =	stream.linear.gather [hbm4b:s3+s1], $0x640, $0x38;
	[tilespmem:$0x1C680] =	vst v63  }
0x1d: {  	_ =	swait.ge [sflag:s6], $0x640  }
0x1e: {  	[sflag:s6] =	ssyncset.done $0x0  }
0x1f: {  	s13 =	simm.s32 $0x0;
	[sflag:s6] =	ssyncadd.s32 $0xFFFFF9C0  }
.LBB2_2:
0x20: {  	s12 =	sshll.u32 s13, $0xA;
	s15 =	sshll.u32 s13, $0x7  }
0x21: {  	s14 =	sand.u32 $0xE000, s12;
	s16 =	sand.u32 $0x380, s15  }
0x22: {  	s17 =	sor.u32 s16, s14;
	s16 =	simm.s32 $0x0  }
0x23: {  	s14 =	sadd.s32 $0x680, s17;
	s18 =	sand.u32 $0x1C00, s16  }
0x24: {  	s17 =	sadd.s32 $0xE680, s17;
	s19 =	sand.u32 $0x70, s16;
	s20 =	sadd.s32 s18, s14  }
0x25: {  	s21 =	sadd.s32 s18, s17;
	s20 =	sadd.s32 s19, s20  }
0x26: {  	s18 =	simm.s32 $0x10;
	s19 =	sadd.s32 s19, s21;
	[tilespmem:s20+$0x0] =	vst v0  }
.LBB2_3:
0x27: {  	p0 =	sne.s32 s18, $0x3D0  }
0x28: {  	[tilespmem:s19+$0x0] =	vst v0;
	s16 =	sadd.s32 $0x80, s16;
	s19 =	smov.u32 s18;
	s18 =	sadd.s32 $0x10, s18  }
.Ltmp0:
0x29: {  	(pc) =	sbr.rel @p0 .LBB2_3-.Ltmp0, $4  }
0x2a: {  	s20 =	sand.u32 $0x1C00, s16  }
0x2b: {  	s19 =	sand.u32 $0x70, s19;
	s21 =	sadd.s32 s20, s14;
	s20 =	sadd.s32 s20, s17  }
0x2c: {  	s21 =	sadd.s32 s19, s21  }
0x2d: {  	s19 =	sadd.s32 s19, s20;
	[tilespmem:s21+$0x0] =	vst v0  }
0x2e: {  	s13 =	sadd.s32 $0x1, s13  }
0x2f: {  	p0 =	sne.s32 s13, $0x32  }
.Ltmp1:
0x30: {  	_ = 	snop;
	(pc) =	sbr.rel @p0 .LBB2_2-.Ltmp1, $4  }
0x31: {  	s12 =	sor.u32 s12, s15  }
0x32: {  	[tilespmem:s19+$0x0] =	vst v0;
	s12 =	sor.u32 $0x1C58, s12  }
0x33: {  	[tilespmem:s12+$0x680] =	vst v0  }
0x34: {  	s12 =	simm.s32 $0x0;
	[tilespmem:s14+$0xFC58] =	vst v0  }
0x35: {  	s13 =	smov.u32 s5  }
.LBB2_6:
0x36: {  	p0 =	seq.s32 s12, $0x0  }
0x37: {  	_ =	swait.ge @!p0 [sflag:s9], $0xE000  }
0x38: {  	s14 =	simm.s32 $0x0;
	[sflag:s9] =	ssyncset.done @!p0 $0x0  }
0x39: {  	s14 =	sshra.s32 @!p0 s12, $0x2;
	[sflag:s9] =	ssyncadd.s32 @!p0 $0xFFFF2000  }
0x3a: {  	v6 =	vld @!p0 [tilespmem:s14+$0xFFFFFF9C];
	_ =	sdelay $0x4  }
0x3b: {  	v7 =	vshll.u32 @!p0 v6, $0x3  }
0x3c: {  	v6 =	vand.u32 @!p0 $0x7F, v6;
	v7 =	vand.u32 @!p0 $0xFFFFFC00, v7  }
0x3d: {  	v6 =	vor.u32 @!p0 v6, v7  }
0x3e: {  	v6 =	vadd.s32 @!p0 v1, v6;
	_ =	sdelay $0x4  }
0x3f: {  	[tilespmem:v6+s7+$0x0] =	vst.idx.msk @!p0 $0xffff, v0  }
0x40: {  	v6 =	vld @!p0 [tilespmem:s14+$0xFFFFFFAC];
	_ =	sdelay $0x4  }
0x41: {  	v7 =	vshll.u32 @!p0 v6, $0x3  }
0x42: {  	v6 =	vand.u32 @!p0 $0x7F, v6;
	v7 =	vand.u32 @!p0 $0xFFFFFC00, v7  }
0x43: {  	v6 =	vor.u32 @!p0 v6, v7  }
0x44: {  	v6 =	vadd.s32 @!p0 v3, v6;
	_ =	sdelay $0x4  }
0x45: {  	[tilespmem:v6+s7+$0x0] =	vst.idx.msk @!p0 $0xffff, v0  }
0x46: {  	v6 =	vld @!p0 [tilespmem:s14+$0xFFFFFFBC];
	_ =	sdelay $0x4  }
0x47: {  	v7 =	vshll.u32 @!p0 v6, $0x3  }
0x48: {  	v6 =	vand.u32 @!p0 $0x7F, v6;
	v7 =	vand.u32 @!p0 $0xFFFFFC00, v7  }
0x49: {  	v6 =	vor.u32 @!p0 v6, v7  }
0x4a: {  	v6 =	vadd.s32 @!p0 v4, v6;
	_ =	sdelay $0x4  }
0x4b: {  	[tilespmem:v6+s7+$0x0] =	vst.idx.msk @!p0 $0xffff, v0  }
0x4c: {  	v6 =	vld @!p0 [tilespmem:s14+$0xFFFFFFCC];
	_ =	sdelay $0x4  }
0x4d: {  	v7 =	vshll.u32 @!p0 v6, $0x3  }
0x4e: {  	v6 =	vand.u32 @!p0 $0x7F, v6;
	v7 =	vand.u32 @!p0 $0xFFFFFC00, v7  }
0x4f: {  	v6 =	vor.u32 @!p0 v6, v7  }
0x50: {  	v6 =	vadd.s32 @!p0 v5, v6;
	_ =	sdelay $0x3  }
0x51: {  	s14 =	smov.u32 @!p0 s12  }
0x52: {  	s14 =	sshra.s32 s14, $0x2;
	[tilespmem:v6+s7+$0x0] =	vst.idx.msk @!p0 $0x3, v0  }
0x53: {  	v6 =	vld [tilespmem:s14+$0x0];
	_ =	sdelay $0x4  }
0x54: {  	v7 =	vshll.u32 v6, $0x3  }
0x55: {  	v6 =	vand.u32 $0x7F, v6;
	v7 =	vand.u32 $0xFFFFFC00, v7  }
0x56: {  	v6 =	vor.u32 v6, v7  }
0x57: {  	v6 =	vadd.s32 v1, v6;
	_ =	sdelay $0x4  }
0x58: {  	[tilespmem:v6+s7+$0x0] =	vst.idx.msk $0xffff, v2  }
0x59: {  	v6 =	vld [tilespmem:s14+$0x10];
	_ =	sdelay $0x4  }
0x5a: {  	v7 =	vshll.u32 v6, $0x3  }
0x5b: {  	v6 =	vand.u32 $0x7F, v6;
	v7 =	vand.u32 $0xFFFFFC00, v7  }
0x5c: {  	v6 =	vor.u32 v6, v7  }
0x5d: {  	v6 =	vadd.s32 v3, v6;
	_ =	sdelay $0x4  }
0x5e: {  	[tilespmem:v6+s7+$0x0] =	vst.idx.msk $0xffff, v2  }
0x5f: {  	v6 =	vld [tilespmem:s14+$0x20];
	_ =	sdelay $0x4  }
0x60: {  	v7 =	vshll.u32 v6, $0x3  }
0x61: {  	v6 =	vand.u32 $0x7F, v6;
	v7 =	vand.u32 $0xFFFFFC00, v7  }
0x62: {  	v6 =	vor.u32 v6, v7  }
0x63: {  	v6 =	vadd.s32 v4, v6;
	_ =	sdelay $0x4  }
0x64: {  	[tilespmem:v6+s7+$0x0] =	vst.idx.msk $0xffff, v2  }
0x65: {  	v6 =	vld [tilespmem:s14+$0x30];
	_ =	sdelay $0x4  }
0x66: {  	v7 =	vshll.u32 v6, $0x3  }
0x67: {  	v6 =	vand.u32 $0x7F, v6;
	v7 =	vand.u32 $0xFFFFFC00, v7  }
0x68: {  	v6 =	vor.u32 v6, v7  }
0x69: {  	v6 =	vadd.s32 v5, v6;
	_ =	sdelay $0x4  }
0x6a: {  	[tilespmem:v6+s7+$0x0] =	vst.idx.msk $0x3, v2  }
0x6b: {  	[hbm4b:s13+s1] =	stream.linear.scatter [tilespmem:s7], [sflag:$0x1], $0xE000, $0x38;
	[tilespmem:$0x1C680] =	vst v63  }
0x6c: {  	_ =	swait.ge @!p0 [sflag:s10], $0xE000  }
0x6d: {  	[sflag:s10] =	ssyncset.done @!p0 $0x0  }
0x6e: {  	[sflag:s10] =	ssyncadd.s32 @!p0 $0xFFFF2000  }
0x6f: {  	v6 =	vld @!p0 [tilespmem:s14+$0xFFFFFFCE];
	_ =	sdelay $0x4  }
0x70: {  	v7 =	vshll.u32 @!p0 v6, $0x3  }
0x71: {  	v6 =	vand.u32 @!p0 $0x7F, v6;
	v7 =	vand.u32 @!p0 $0xFFFFFC00, v7  }
0x72: {  	v6 =	vor.u32 @!p0 v6, v7  }
0x73: {  	v6 =	vadd.s32 @!p0 v1, v6;
	_ =	sdelay $0x4  }
0x74: {  	[tilespmem:v6+s8+$0x0] =	vst.idx.msk @!p0 $0xffff, v0  }
0x75: {  	v6 =	vld @!p0 [tilespmem:s14+$0xFFFFFFDE];
	_ =	sdelay $0x4  }
0x76: {  	v7 =	vshll.u32 @!p0 v6, $0x3  }
0x77: {  	v6 =	vand.u32 @!p0 $0x7F, v6;
	v7 =	vand.u32 @!p0 $0xFFFFFC00, v7  }
0x78: {  	v6 =	vor.u32 @!p0 v6, v7  }
0x79: {  	v6 =	vadd.s32 @!p0 v3, v6;
	_ =	sdelay $0x4  }
0x7a: {  	[tilespmem:v6+s8+$0x0] =	vst.idx.msk @!p0 $0xffff, v0  }
0x7b: {  	v6 =	vld @!p0 [tilespmem:s14+$0xFFFFFFEE];
	_ =	sdelay $0x4  }
0x7c: {  	v7 =	vshll.u32 @!p0 v6, $0x3  }
0x7d: {  	v6 =	vand.u32 @!p0 $0x7F, v6;
	v7 =	vand.u32 @!p0 $0xFFFFFC00, v7  }
0x7e: {  	v6 =	vor.u32 @!p0 v6, v7  }
0x7f: {  	v6 =	vadd.s32 @!p0 v4, v6;
	_ =	sdelay $0x4  }
0x80: {  	[tilespmem:v6+s8+$0x0] =	vst.idx.msk @!p0 $0xffff, v0  }
0x81: {  	v6 =	vld @!p0 [tilespmem:s14+$0xFFFFFFFE];
	_ =	sdelay $0x4  }
0x82: {  	v7 =	vshll.u32 @!p0 v6, $0x3  }
0x83: {  	v6 =	vand.u32 @!p0 $0x7F, v6;
	v7 =	vand.u32 @!p0 $0xFFFFFC00, v7  }
0x84: {  	v6 =	vor.u32 @!p0 v6, v7  }
0x85: {  	v6 =	vadd.s32 @!p0 v5, v6;
	_ =	sdelay $0x4  }
0x86: {  	s30 =	sshra.s32 s12, $0x2;
	[tilespmem:v6+s8+$0x0] =	vst.idx.msk @!p0 $0x3, v0  }
0x87: {  	v6 =	vld [tilespmem:s30+$0x32];
	_ =	sdelay $0x4  }
0x88: {  	v7 =	vshll.u32 v6, $0x3  }
0x89: {  	v6 =	vand.u32 $0x7F, v6;
	v7 =	vand.u32 $0xFFFFFC00, v7  }
0x8a: {  	v6 =	vor.u32 v6, v7  }
0x8b: {  	v6 =	vadd.s32 v1, v6;
	_ =	sdelay $0x4  }
0x8c: {  	[tilespmem:v6+s8+$0x0] =	vst.idx.msk $0xffff, v2  }
0x8d: {  	v6 =	vld [tilespmem:s30+$0x42];
	_ =	sdelay $0x4  }
0x8e: {  	v7 =	vshll.u32 v6, $0x3  }
0x8f: {  	v6 =	vand.u32 $0x7F, v6;
	v7 =	vand.u32 $0xFFFFFC00, v7  }
0x90: {  	v6 =	vor.u32 v6, v7  }
0x91: {  	v6 =	vadd.s32 v3, v6;
	_ =	sdelay $0x4  }
0x92: {  	[tilespmem:v6+s8+$0x0] =	vst.idx.msk $0xffff, v2  }
0x93: {  	v6 =	vld [tilespmem:s30+$0x52];
	_ =	sdelay $0x4  }
0x94: {  	v7 =	vshll.u32 v6, $0x3  }
0x95: {  	v6 =	vand.u32 $0x7F, v6;
	v7 =	vand.u32 $0xFFFFFC00, v7  }
0x96: {  	v6 =	vor.u32 v6, v7  }
0x97: {  	v6 =	vadd.s32 v4, v6;
	_ =	sdelay $0x4  }
0x98: {  	[tilespmem:v6+s8+$0x0] =	vst.idx.msk $0xffff, v2  }
0x99: {  	v6 =	vld [tilespmem:s30+$0x62];
	_ =	sdelay $0x4  }
0x9a: {  	v7 =	vshll.u32 v6, $0x3  }
0x9b: {  	v6 =	vand.u32 $0x7F, v6;
	v7 =	vand.u32 $0xFFFFFC00, v7  }
0x9c: {  	v6 =	vor.u32 v6, v7  }
0x9d: {  	s12 =	sadd.s32 $0x190, s12;
	v6 =	vadd.s32 v5, v6  }
0x9e: {  	p0 =	sne.s32 s12, $0x1900  }
.Ltmp2:
0x9f: {  	_ = 	snop;
	(pc) =	sbr.rel @p0 .LBB2_6-.Ltmp2, $3  }
0xa0: {  	_ =	sdelay $0x1  }
0xa1: {  	s31 =	sadd.s32 $0x1C00, s13;
	s13 =	sadd.s32 $0x3800, s13;
	[tilespmem:v6+s8+$0x0] =	vst.idx.msk $0x3, v2  }
0xa2: {  	[hbm4b:s31+s1] =	stream.linear.scatter [tilespmem:s8], [sflag:$0x2], $0xE000, $0x38;
	[tilespmem:$0x1C680] =	vst v63  }
0xa3: {  	s11 =	sadd.s32 $0x1, s11  }
0xa4: {  	_ =	swait.ge [sflag:s9], $0xE000;
	p0 =	sne.s32 s11, s4  }
.Ltmp3:
0xa5: {  	[sflag:s9] =	ssyncset.done $0x0;
	(pc) =	sbr.rel @p0 .LBB2_1-.Ltmp3, $4  }
0xa6: {  	[sflag:s9] =	ssyncadd.s32 $0xFFFF2000  }
0xa7: {  	_ =	swait.ge [sflag:s10], $0xE000  }
0xa8: {  	[sflag:s10] =	ssyncset.done $0x0  }
0xa9: {  	[sflag:s10] =	ssyncadd.s32 $0xFFFF2000  }
0xaa: {  	_ =	sfence.sel $0x180000  }
0xab: {  	[bflag:$0x0] =	sbarrier.arrive $0xFFFF  }
0xac: {  	p0 =	sne.s32 s2, $0x0;
	_ =	strace $0x90000047  }
0xad: {  	s0 =	sadd.s32 @!p0 $0x100000, s0;
	[bflag:$0x2] =	sbarrier.arrive $0xFFFF  }
0xae: {  	[sflag:s0] =	ssyncadd.tile.s32 @!p0 $0x1;
	_ =	shalt  }
.Lfunc_end2:
_tile_overlayer_lowered:
.L_overlay_start_2:
0xaf: {  	(tag) =	ssettag $0x2  }
0xb0: {  	s0 =	rddreg [dreg:$0x0];
	s2 =	stileid.u32  }
0xb1: {  	s1 =	rddreg [dreg:$0x1];
	p0 =	sne.s32 s2, $0x0  }
0xb2: {  	s3 =	rddreg [dreg:$0x2];
	[bflag:$0x3] =	sbarrier.arrive $0xFFFF;
	s2 =	simm.s32 @!p0 $0x1C03  }
0xb3: {  	[timem:s3], [sflag:s2] =	dma.local @!p0 [hbm:s0], s1  }
0xb4: {  	s0 =	simm.s32 @!p0 $0x3  }
0xb5: {  	_ =	swait.ge @!p0 [sflag:s0], s1  }
0xb6: {  	s1 =	ssub.s32 @!p0 $0x0, s1;
	[sflag:s0] =	ssyncset.done @!p0 $0x0  }
0xb7: {  	[sflag:s0] =	ssyncadd.s32 @!p0 s1  }
0xb8: {  	[bflag:$0x3] =	sbarrier.arrive $0xFFFF  }
0xb9: {  	_ =	shalt  }

</sc_bundles>
